<compile_context>
chip_gen: v7x
topology: tpu7x:2x2x1
jax: 0.10.2.dev20260603
libtpu: 0.0.44.dev20260713+nightly
codegen_flags: <defaults>
</compile_context>

<pallas_src>
import functools

import jax
import jax.numpy as jnp
from jax import lax
from jax.experimental import pallas as pl
from jax.experimental.pallas import tpu as pltpu
from jax.experimental.pallas import tpu_sc as plsc

_BATCH, _SEQ, _EMBED = 4096, 200, 128
_NC, _NS = 2, 16
_NW = _NC * _NS
_RPW = _BATCH // _NW
_NB = 4

_mesh = plsc.VectorSubcoreMesh(core_axis_name="c", subcore_axis_name="s")


@functools.partial(
    pl.kernel,
    mesh=_mesh,
    out_type=jax.ShapeDtypeStruct((_BATCH, _SEQ, _EMBED), jnp.float32),
    scratch_types=(
        [pltpu.VMEM((_RPW * _SEQ,), jnp.int32)]
        + [pltpu.VMEM((_SEQ, _EMBED), jnp.float32) for _ in range(_NB)]
        + [pltpu.SemaphoreType.DMA for _ in range(2 * _NB)]
    ),
)
def _emb_lookup(idx_hbm, table_hbm, out_hbm, idx_v, *scratch):
    rows = scratch[:_NB]
    gsems = scratch[_NB:2 * _NB]
    ssems = scratch[2 * _NB:]
    wid = lax.axis_index("s") * _NC + lax.axis_index("c")
    base = wid * _RPW
    pltpu.sync_copy(idx_hbm.at[pl.ds(base * _SEQ, _RPW * _SEQ)], idx_v)

    def gather(c, b):
        return pltpu.make_async_copy(
            table_hbm.at[idx_v.at[pl.ds(c * _SEQ, _SEQ)]], rows[b], gsems[b])

    def store(c, b):
        return pltpu.make_async_copy(rows[b], out_hbm.at[base + c], ssems[b])

    for b in range(_NB):
        gather(b, b).start()

    def outer(g, carry):
        for b in range(_NB):
            c = g * _NB + b
            gather(c, b).wait()
            store(c, b).start()
            store(c, b).wait()
            gather(c + _NB, b).start()
        return carry

    lax.fori_loop(0, _RPW // _NB - 1, outer, 0)

    cl = _RPW - _NB
    for b in range(_NB):
        gather(cl + b, b).wait()
        store(cl + b, b).start()
    for b in range(_NB):
        store(cl + b, b).wait()


def kernel(data, table):
    return _emb_lookup(data.reshape(_BATCH * _SEQ).astype(jnp.int32), table)

# --- scband reference (transcript-rebuilt; emitter-appended) ---
"""Pipeline reference for scband-wordebd-7335804142378 (READ-ONLY COPY).

The authoritative reference and input builder live on the scoring server;
editing this copy changes nothing except your own understanding.
"""

import jax, jax.numpy as jnp
import numpy as np

VOCAB = 1000000
EMBED_DIM = 128
BATCH = 4096
SEQ = 200


def setup_inputs(seed: int = 0) -> dict:
    key = jax.random.key(seed)
    k1, k2 = jax.random.split(key)
    data = jax.random.randint(k1, (BATCH, SEQ), 0, VOCAB, dtype=jnp.int64 if jax.config.jax_enable_x64 else jnp.int32)
    table = jax.random.normal(k2, (VOCAB, EMBED_DIM), dtype=jnp.float32) * 0.02
    return {"data": data, "table": table}


def reference(data, table):
    # WORDEBD.forward with weights=None: plain embedding lookup
    # output: batch_size * max_text_len * embedding_dim
    out = jnp.take(table, data, axis=0)
    return out

if __name__ == "__main__":
    import jax
    _d = setup_inputs()
    print(jax.jit(kernel)(*tuple(_d.values())))

</pallas_src>

<mosaic_0001>
#map = affine_map<(d0, d1) -> (0)>
#map1 = affine_map<(d0, d1) -> (0, 0)>
#map2 = affine_map<(d0, d1) -> (0, 0, 0)>
module attributes {stable_mosaic.version = 14 : i64} {
  func.func @_emb_lookup(%arg0: i32, %arg1: i32, %arg2: memref<819200xi32, #tpu.memory_space<hbm>>, %arg3: memref<1000000x128xf32, #tpu.memory_space<hbm>>, %arg4: memref<4096x200x128xf32, #tpu.memory_space<hbm>>, %arg5: memref<25600xi32, #tpu.memory_space<vmem>>, %arg6: memref<200x128xf32, #tpu.memory_space<vmem>>, %arg7: memref<200x128xf32, #tpu.memory_space<vmem>>, %arg8: memref<200x128xf32, #tpu.memory_space<vmem>>, %arg9: memref<200x128xf32, #tpu.memory_space<vmem>>, %arg10: memref<!tpu.dma_semaphore, #tpu.memory_space<semaphore_mem>>, %arg11: memref<!tpu.dma_semaphore, #tpu.memory_space<semaphore_mem>>, %arg12: memref<!tpu.dma_semaphore, #tpu.memory_space<semaphore_mem>>, %arg13: memref<!tpu.dma_semaphore, #tpu.memory_space<semaphore_mem>>, %arg14: memref<!tpu.dma_semaphore, #tpu.memory_space<semaphore_mem>>, %arg15: memref<!tpu.dma_semaphore, #tpu.memory_space<semaphore_mem>>, %arg16: memref<!tpu.dma_semaphore, #tpu.memory_space<semaphore_mem>>, %arg17: memref<!tpu.dma_semaphore, #tpu.memory_space<semaphore_mem>>) attributes {dimension_semantics = [#tpu.dimension_semantics<core_parallel>, #tpu.dimension_semantics<subcore_parallel>], iteration_bounds = array<i64: 2, 16>, scalar_prefetch = 0 : i64, scratch_operands = 13 : i64, tpu.core_type = #tpu.core_type<sc_vector_subcore>, window_params = [{transform_indices = #map}, {transform_indices = #map1}, {transform_indices = #map2}]} {
    %mul3A = arith.constant 2 : i32
    %mul3A_0 = arith.muli %arg1, %mul3A : i32
    %add3A = arith.addi %mul3A_0, %arg0 : i32
    %mul3A_1 = arith.constant 128 : i32
    %mul3A_2 = arith.muli %add3A, %mul3A_1 : i32
    %mul3A_3 = arith.constant 200 : i32
    %mul3A_4 = arith.muli %mul3A_2, %mul3A_3 : i32
    "tpu.region"() ({
      %run_scoped3A = tpu.sem_alloc : memref<!tpu.dma_semaphore, #tpu.memory_space<semaphore_mem>>
      %dma_start3A_128 = tpu.memref_slice %arg2[%mul3A_4] : memref<819200xi32, #tpu.memory_space<hbm>> -> memref<25600xi32, #tpu.memory_space<hbm>>
      %dma_start3A_129 = tpu.memref_slice %arg2[%mul3A_4] : memref<819200xi32, #tpu.memory_space<hbm>> -> memref<25600xi32, #tpu.memory_space<hbm>>
      tpu.enqueue_dma source(%dma_start3A_129 : memref<25600xi32, #tpu.memory_space<hbm>>) target(%arg5 : memref<25600xi32, #tpu.memory_space<vmem>>) target_semaphore(%run_scoped3A : memref<!tpu.dma_semaphore, #tpu.memory_space<semaphore_mem>>)
      %dma_wait3A_130 = tpu.memref_slice %arg2[%mul3A_4] : memref<819200xi32, #tpu.memory_space<hbm>> -> memref<25600xi32, #tpu.memory_space<hbm>>
      %dma_wait3A_131 = tpu.memref_slice %arg2[%mul3A_4] : memref<819200xi32, #tpu.memory_space<hbm>> -> memref<25600xi32, #tpu.memory_space<hbm>>
      tpu.wait_dma2 semaphore(%run_scoped3A : memref<!tpu.dma_semaphore, #tpu.memory_space<semaphore_mem>>) src(%dma_wait3A_131 : memref<25600xi32, #tpu.memory_space<hbm>>) dst(%arg5 : memref<25600xi32, #tpu.memory_space<vmem>>)
      tpu.yield
    }) : () -> ()
    %dma_start3A = arith.constant 0 : i32
    %dma_start3A_5 = tpu.memref_slice %arg5[%dma_start3A] : memref<25600xi32, #tpu.memory_space<vmem>> -> memref<200xi32, #tpu.memory_space<vmem>>
    %dma_start3A_6 = arith.constant 0 : i32
    %dma_start3A_7 = arith.constant 0 : i32
    %dma_start3A_8 = tpu.memref_slice %arg3[%dma_start3A_6, %dma_start3A_7] : memref<1000000x128xf32, #tpu.memory_space<hbm>> -> memref<1000000x128xf32, #tpu.memory_space<hbm>>
    tpu.enqueue_indirect_dma source(%dma_start3A_8 : memref<1000000x128xf32, #tpu.memory_space<hbm>>) target(%arg6 : memref<200x128xf32, #tpu.memory_space<vmem>>) offsets(%dma_start3A_5 : memref<200xi32, #tpu.memory_space<vmem>>) semaphore(%arg10 : memref<!tpu.dma_semaphore, #tpu.memory_space<semaphore_mem>>)
    %dma_start3A_9 = arith.constant 200 : i32
    %dma_start3A_10 = tpu.memref_slice %arg5[%dma_start3A_9] : memref<25600xi32, #tpu.memory_space<vmem>> -> memref<200xi32, #tpu.memory_space<vmem>>
    %dma_start3A_11 = arith.constant 0 : i32
    %dma_start3A_12 = arith.constant 0 : i32
    %dma_start3A_13 = tpu.memref_slice %arg3[%dma_start3A_11, %dma_start3A_12] : memref<1000000x128xf32, #tpu.memory_space<hbm>> -> memref<1000000x128xf32, #tpu.memory_space<hbm>>
    tpu.enqueue_indirect_dma source(%dma_start3A_13 : memref<1000000x128xf32, #tpu.memory_space<hbm>>) target(%arg7 : memref<200x128xf32, #tpu.memory_space<vmem>>) offsets(%dma_start3A_10 : memref<200xi32, #tpu.memory_space<vmem>>) semaphore(%arg11 : memref<!tpu.dma_semaphore, #tpu.memory_space<semaphore_mem>>)
    %dma_start3A_14 = arith.constant 400 : i32
    %dma_start3A_15 = tpu.memref_slice %arg5[%dma_start3A_14] : memref<25600xi32, #tpu.memory_space<vmem>> -> memref<200xi32, #tpu.memory_space<vmem>>
    %dma_start3A_16 = arith.constant 0 : i32
    %dma_start3A_17 = arith.constant 0 : i32
    %dma_start3A_18 = tpu.memref_slice %arg3[%dma_start3A_16, %dma_start3A_17] : memref<1000000x128xf32, #tpu.memory_space<hbm>> -> memref<1000000x128xf32, #tpu.memory_space<hbm>>
    tpu.enqueue_indirect_dma source(%dma_start3A_18 : memref<1000000x128xf32, #tpu.memory_space<hbm>>) target(%arg8 : memref<200x128xf32, #tpu.memory_space<vmem>>) offsets(%dma_start3A_15 : memref<200xi32, #tpu.memory_space<vmem>>) semaphore(%arg12 : memref<!tpu.dma_semaphore, #tpu.memory_space<semaphore_mem>>)
    %dma_start3A_19 = arith.constant 600 : i32
    %dma_start3A_20 = tpu.memref_slice %arg5[%dma_start3A_19] : memref<25600xi32, #tpu.memory_space<vmem>> -> memref<200xi32, #tpu.memory_space<vmem>>
    %dma_start3A_21 = arith.constant 0 : i32
    %dma_start3A_22 = arith.constant 0 : i32
    %dma_start3A_23 = tpu.memref_slice %arg3[%dma_start3A_21, %dma_start3A_22] : memref<1000000x128xf32, #tpu.memory_space<hbm>> -> memref<1000000x128xf32, #tpu.memory_space<hbm>>
    tpu.enqueue_indirect_dma source(%dma_start3A_23 : memref<1000000x128xf32, #tpu.memory_space<hbm>>) target(%arg9 : memref<200x128xf32, #tpu.memory_space<vmem>>) offsets(%dma_start3A_20 : memref<200xi32, #tpu.memory_space<vmem>>) semaphore(%arg13 : memref<!tpu.dma_semaphore, #tpu.memory_space<semaphore_mem>>)
    %scan3A = arith.constant 0 : i32
    %scan3A_24 = arith.constant 0 : i32
    %scan3A_25 = arith.constant 31 : i32
    %scan3A_26 = arith.addi %scan3A_24, %scan3A_25 : i32
    %scan3A_27 = arith.constant 1 : i32
    scf.for %scan3A_128 = %scan3A_24 to %scan3A_26 step %scan3A_27  : i32 {
      %mul3A_129 = arith.constant 4 : i32
      %mul3A_130 = arith.muli %scan3A_128, %mul3A_129 : i32
      %add3A_131 = arith.constant 0 : i32
      %add3A_132 = arith.addi %mul3A_130, %add3A_131 : i32
      %mul3A_133 = arith.constant 200 : i32
      %mul3A_134 = arith.muli %add3A_132, %mul3A_133 : i32
      %dma_wait3A_135 = tpu.memref_slice %arg5[%mul3A_134] : memref<25600xi32, #tpu.memory_space<vmem>> -> memref<200xi32, #tpu.memory_space<vmem>>
      %dma_wait3A_136 = arith.constant 0 : i32
      %dma_wait3A_137 = arith.constant 0 : i32
      %dma_wait3A_138 = tpu.memref_slice %arg3[%dma_wait3A_136, %dma_wait3A_137] : memref<1000000x128xf32, #tpu.memory_space<hbm>> -> memref<1000000x128xf32, #tpu.memory_space<hbm>>
      tpu.wait_indirect_dma semaphore(%arg10 : memref<!tpu.dma_semaphore, #tpu.memory_space<semaphore_mem>>) src(%dma_wait3A_138 : memref<1000000x128xf32, #tpu.memory_space<hbm>>) dst(%arg6 : memref<200x128xf32, #tpu.memory_space<vmem>>)
      %add3A_139 = arith.addi %mul3A_2, %add3A_132 : i32
      %dma_start3A_140 = arith.constant 0 : i32
      %dma_start3A_141 = arith.constant 0 : i32
      %dma_start3A_142 = tpu.memref_slice %arg4[%add3A_139, %dma_start3A_140, %dma_start3A_141] : memref<4096x200x128xf32, #tpu.memory_space<hbm>> -> memref<1x200x128xf32, #tpu.memory_space<hbm>>
      %dma_start3A_143 = tpu.memref_squeeze %dma_start3A_142 : memref<1x200x128xf32, #tpu.memory_space<hbm>> -> memref<200x128xf32, #tpu.memory_space<hbm>>
      %dma_start3A_144 = arith.constant 0 : i32
      %dma_start3A_145 = arith.constant 0 : i32
      %dma_start3A_146 = tpu.memref_slice %arg4[%add3A_139, %dma_start3A_144, %dma_start3A_145] : memref<4096x200x128xf32, #tpu.memory_space<hbm>> -> memref<1x200x128xf32, #tpu.memory_space<hbm>>
      %dma_start3A_147 = tpu.memref_squeeze %dma_start3A_146 : memref<1x200x128xf32, #tpu.memory_space<hbm>> -> memref<200x128xf32, #tpu.memory_space<hbm>>
      tpu.enqueue_dma source(%arg6 : memref<200x128xf32, #tpu.memory_space<vmem>>) target(%dma_start3A_147 : memref<200x128xf32, #tpu.memory_space<hbm>>) target_semaphore(%arg14 : memref<!tpu.dma_semaphore, #tpu.memory_space<semaphore_mem>>)
      %add3A_148 = arith.addi %mul3A_2, %add3A_132 : i32
      %dma_wait3A_149 = arith.constant 0 : i32
      %dma_wait3A_150 = arith.constant 0 : i32
      %dma_wait3A_151 = tpu.memref_slice %arg4[%add3A_148, %dma_wait3A_149, %dma_wait3A_150] : memref<4096x200x128xf32, #tpu.memory_space<hbm>> -> memref<1x200x128xf32, #tpu.memory_space<hbm>>
      %dma_wait3A_152 = tpu.memref_squeeze %dma_wait3A_151 : memref<1x200x128xf32, #tpu.memory_space<hbm>> -> memref<200x128xf32, #tpu.memory_space<hbm>>
      %dma_wait3A_153 = arith.constant 0 : i32
      %dma_wait3A_154 = arith.constant 0 : i32
      %dma_wait3A_155 = tpu.memref_slice %arg4[%add3A_148, %dma_wait3A_153, %dma_wait3A_154] : memref<4096x200x128xf32, #tpu.memory_space<hbm>> -> memref<1x200x128xf32, #tpu.memory_space<hbm>>
      %dma_wait3A_156 = tpu.memref_squeeze %dma_wait3A_155 : memref<1x200x128xf32, #tpu.memory_space<hbm>> -> memref<200x128xf32, #tpu.memory_space<hbm>>
      tpu.wait_dma2 semaphore(%arg14 : memref<!tpu.dma_semaphore, #tpu.memory_space<semaphore_mem>>) src(%arg6 : memref<200x128xf32, #tpu.memory_space<vmem>>) dst(%dma_wait3A_156 : memref<200x128xf32, #tpu.memory_space<hbm>>)
      %add3A_157 = arith.constant 4 : i32
      %add3A_158 = arith.addi %add3A_132, %add3A_157 : i32
      %mul3A_159 = arith.constant 200 : i32
      %mul3A_160 = arith.muli %add3A_158, %mul3A_159 : i32
      %dma_start3A_161 = tpu.memref_slice %arg5[%mul3A_160] : memref<25600xi32, #tpu.memory_space<vmem>> -> memref<200xi32, #tpu.memory_space<vmem>>
      %dma_start3A_162 = arith.constant 0 : i32
      %dma_start3A_163 = arith.constant 0 : i32
      %dma_start3A_164 = tpu.memref_slice %arg3[%dma_start3A_162, %dma_start3A_163] : memref<1000000x128xf32, #tpu.memory_space<hbm>> -> memref<1000000x128xf32, #tpu.memory_space<hbm>>
      tpu.enqueue_indirect_dma source(%dma_start3A_164 : memref<1000000x128xf32, #tpu.memory_space<hbm>>) target(%arg6 : memref<200x128xf32, #tpu.memory_space<vmem>>) offsets(%dma_start3A_161 : memref<200xi32, #tpu.memory_space<vmem>>) semaphore(%arg10 : memref<!tpu.dma_semaphore, #tpu.memory_space<semaphore_mem>>)
      %mul3A_165 = arith.constant 4 : i32
      %mul3A_166 = arith.muli %scan3A_128, %mul3A_165 : i32
      %add3A_167 = arith.constant 1 : i32
      %add3A_168 = arith.addi %mul3A_166, %add3A_167 : i32
      %mul3A_169 = arith.constant 200 : i32
      %mul3A_170 = arith.muli %add3A_168, %mul3A_169 : i32
      %dma_wait3A_171 = tpu.memref_slice %arg5[%mul3A_170] : memref<25600xi32, #tpu.memory_space<vmem>> -> memref<200xi32, #tpu.memory_space<vmem>>
      %dma_wait3A_172 = arith.constant 0 : i32
      %dma_wait3A_173 = arith.constant 0 : i32
      %dma_wait3A_174 = tpu.memref_slice %arg3[%dma_wait3A_172, %dma_wait3A_173] : memref<1000000x128xf32, #tpu.memory_space<hbm>> -> memref<1000000x128xf32, #tpu.memory_space<hbm>>
      tpu.wait_indirect_dma semaphore(%arg11 : memref<!tpu.dma_semaphore, #tpu.memory_space<semaphore_mem>>) src(%dma_wait3A_174 : memref<1000000x128xf32, #tpu.memory_space<hbm>>) dst(%arg7 : memref<200x128xf32, #tpu.memory_space<vmem>>)
      %add3A_175 = arith.addi %mul3A_2, %add3A_168 : i32
      %dma_start3A_176 = arith.constant 0 : i32
      %dma_start3A_177 = arith.constant 0 : i32
      %dma_start3A_178 = tpu.memref_slice %arg4[%add3A_175, %dma_start3A_176, %dma_start3A_177] : memref<4096x200x128xf32, #tpu.memory_space<hbm>> -> memref<1x200x128xf32, #tpu.memory_space<hbm>>
      %dma_start3A_179 = tpu.memref_squeeze %dma_start3A_178 : memref<1x200x128xf32, #tpu.memory_space<hbm>> -> memref<200x128xf32, #tpu.memory_space<hbm>>
      %dma_start3A_180 = arith.constant 0 : i32
      %dma_start3A_181 = arith.constant 0 : i32
      %dma_start3A_182 = tpu.memref_slice %arg4[%add3A_175, %dma_start3A_180, %dma_start3A_181] : memref<4096x200x128xf32, #tpu.memory_space<hbm>> -> memref<1x200x128xf32, #tpu.memory_space<hbm>>
      %dma_start3A_183 = tpu.memref_squeeze %dma_start3A_182 : memref<1x200x128xf32, #tpu.memory_space<hbm>> -> memref<200x128xf32, #tpu.memory_space<hbm>>
      tpu.enqueue_dma source(%arg7 : memref<200x128xf32, #tpu.memory_space<vmem>>) target(%dma_start3A_183 : memref<200x128xf32, #tpu.memory_space<hbm>>) target_semaphore(%arg15 : memref<!tpu.dma_semaphore, #tpu.memory_space<semaphore_mem>>)
      %add3A_184 = arith.addi %mul3A_2, %add3A_168 : i32
      %dma_wait3A_185 = arith.constant 0 : i32
      %dma_wait3A_186 = arith.constant 0 : i32
      %dma_wait3A_187 = tpu.memref_slice %arg4[%add3A_184, %dma_wait3A_185, %dma_wait3A_186] : memref<4096x200x128xf32, #tpu.memory_space<hbm>> -> memref<1x200x128xf32, #tpu.memory_space<hbm>>
      %dma_wait3A_188 = tpu.memref_squeeze %dma_wait3A_187 : memref<1x200x128xf32, #tpu.memory_space<hbm>> -> memref<200x128xf32, #tpu.memory_space<hbm>>
      %dma_wait3A_189 = arith.constant 0 : i32
      %dma_wait3A_190 = arith.constant 0 : i32
      %dma_wait3A_191 = tpu.memref_slice %arg4[%add3A_184, %dma_wait3A_189, %dma_wait3A_190] : memref<4096x200x128xf32, #tpu.memory_space<hbm>> -> memref<1x200x128xf32, #tpu.memory_space<hbm>>
      %dma_wait3A_192 = tpu.memref_squeeze %dma_wait3A_191 : memref<1x200x128xf32, #tpu.memory_space<hbm>> -> memref<200x128xf32, #tpu.memory_space<hbm>>
      tpu.wait_dma2 semaphore(%arg15 : memref<!tpu.dma_semaphore, #tpu.memory_space<semaphore_mem>>) src(%arg7 : memref<200x128xf32, #tpu.memory_space<vmem>>) dst(%dma_wait3A_192 : memref<200x128xf32, #tpu.memory_space<hbm>>)
      %add3A_193 = arith.constant 4 : i32
      %add3A_194 = arith.addi %add3A_168, %add3A_193 : i32
      %mul3A_195 = arith.constant 200 : i32
      %mul3A_196 = arith.muli %add3A_194, %mul3A_195 : i32
      %dma_start3A_197 = tpu.memref_slice %arg5[%mul3A_196] : memref<25600xi32, #tpu.memory_space<vmem>> -> memref<200xi32, #tpu.memory_space<vmem>>
      %dma_start3A_198 = arith.constant 0 : i32
      %dma_start3A_199 = arith.constant 0 : i32
      %dma_start3A_200 = tpu.memref_slice %arg3[%dma_start3A_198, %dma_start3A_199] : memref<1000000x128xf32, #tpu.memory_space<hbm>> -> memref<1000000x128xf32, #tpu.memory_space<hbm>>
      tpu.enqueue_indirect_dma source(%dma_start3A_200 : memref<1000000x128xf32, #tpu.memory_space<hbm>>) target(%arg7 : memref<200x128xf32, #tpu.memory_space<vmem>>) offsets(%dma_start3A_197 : memref<200xi32, #tpu.memory_space<vmem>>) semaphore(%arg11 : memref<!tpu.dma_semaphore, #tpu.memory_space<semaphore_mem>>)
      %mul3A_201 = arith.constant 4 : i32
      %mul3A_202 = arith.muli %scan3A_128, %mul3A_201 : i32
      %add3A_203 = arith.constant 2 : i32
      %add3A_204 = arith.addi %mul3A_202, %add3A_203 : i32
      %mul3A_205 = arith.constant 200 : i32
      %mul3A_206 = arith.muli %add3A_204, %mul3A_205 : i32
      %dma_wait3A_207 = tpu.memref_slice %arg5[%mul3A_206] : memref<25600xi32, #tpu.memory_space<vmem>> -> memref<200xi32, #tpu.memory_space<vmem>>
      %dma_wait3A_208 = arith.constant 0 : i32
      %dma_wait3A_209 = arith.constant 0 : i32
      %dma_wait3A_210 = tpu.memref_slice %arg3[%dma_wait3A_208, %dma_wait3A_209] : memref<1000000x128xf32, #tpu.memory_space<hbm>> -> memref<1000000x128xf32, #tpu.memory_space<hbm>>
      tpu.wait_indirect_dma semaphore(%arg12 : memref<!tpu.dma_semaphore, #tpu.memory_space<semaphore_mem>>) src(%dma_wait3A_210 : memref<1000000x128xf32, #tpu.memory_space<hbm>>) dst(%arg8 : memref<200x128xf32, #tpu.memory_space<vmem>>)
      %add3A_211 = arith.addi %mul3A_2, %add3A_204 : i32
      %dma_start3A_212 = arith.constant 0 : i32
      %dma_start3A_213 = arith.constant 0 : i32
      %dma_start3A_214 = tpu.memref_slice %arg4[%add3A_211, %dma_start3A_212, %dma_start3A_213] : memref<4096x200x128xf32, #tpu.memory_space<hbm>> -> memref<1x200x128xf32, #tpu.memory_space<hbm>>
      %dma_start3A_215 = tpu.memref_squeeze %dma_start3A_214 : memref<1x200x128xf32, #tpu.memory_space<hbm>> -> memref<200x128xf32, #tpu.memory_space<hbm>>
      %dma_start3A_216 = arith.constant 0 : i32
      %dma_start3A_217 = arith.constant 0 : i32
      %dma_start3A_218 = tpu.memref_slice %arg4[%add3A_211, %dma_start3A_216, %dma_start3A_217] : memref<4096x200x128xf32, #tpu.memory_space<hbm>> -> memref<1x200x128xf32, #tpu.memory_space<hbm>>
      %dma_start3A_219 = tpu.memref_squeeze %dma_start3A_218 : memref<1x200x128xf32, #tpu.memory_space<hbm>> -> memref<200x128xf32, #tpu.memory_space<hbm>>
      tpu.enqueue_dma source(%arg8 : memref<200x128xf32, #tpu.memory_space<vmem>>) target(%dma_start3A_219 : memref<200x128xf32, #tpu.memory_space<hbm>>) target_semaphore(%arg16 : memref<!tpu.dma_semaphore, #tpu.memory_space<semaphore_mem>>)
      %add3A_220 = arith.addi %mul3A_2, %add3A_204 : i32
      %dma_wait3A_221 = arith.constant 0 : i32
      %dma_wait3A_222 = arith.constant 0 : i32
      %dma_wait3A_223 = tpu.memref_slice %arg4[%add3A_220, %dma_wait3A_221, %dma_wait3A_222] : memref<4096x200x128xf32, #tpu.memory_space<hbm>> -> memref<1x200x128xf32, #tpu.memory_space<hbm>>
      %dma_wait3A_224 = tpu.memref_squeeze %dma_wait3A_223 : memref<1x200x128xf32, #tpu.memory_space<hbm>> -> memref<200x128xf32, #tpu.memory_space<hbm>>
      %dma_wait3A_225 = arith.constant 0 : i32
      %dma_wait3A_226 = arith.constant 0 : i32
      %dma_wait3A_227 = tpu.memref_slice %arg4[%add3A_220, %dma_wait3A_225, %dma_wait3A_226] : memref<4096x200x128xf32, #tpu.memory_space<hbm>> -> memref<1x200x128xf32, #tpu.memory_space<hbm>>
      %dma_wait3A_228 = tpu.memref_squeeze %dma_wait3A_227 : memref<1x200x128xf32, #tpu.memory_space<hbm>> -> memref<200x128xf32, #tpu.memory_space<hbm>>
      tpu.wait_dma2 semaphore(%arg16 : memref<!tpu.dma_semaphore, #tpu.memory_space<semaphore_mem>>) src(%arg8 : memref<200x128xf32, #tpu.memory_space<vmem>>) dst(%dma_wait3A_228 : memref<200x128xf32, #tpu.memory_space<hbm>>)
      %add3A_229 = arith.constant 4 : i32
      %add3A_230 = arith.addi %add3A_204, %add3A_229 : i32
      %mul3A_231 = arith.constant 200 : i32
      %mul3A_232 = arith.muli %add3A_230, %mul3A_231 : i32
      %dma_start3A_233 = tpu.memref_slice %arg5[%mul3A_232] : memref<25600xi32, #tpu.memory_space<vmem>> -> memref<200xi32, #tpu.memory_space<vmem>>
      %dma_start3A_234 = arith.constant 0 : i32
      %dma_start3A_235 = arith.constant 0 : i32
      %dma_start3A_236 = tpu.memref_slice %arg3[%dma_start3A_234, %dma_start3A_235] : memref<1000000x128xf32, #tpu.memory_space<hbm>> -> memref<1000000x128xf32, #tpu.memory_space<hbm>>
      tpu.enqueue_indirect_dma source(%dma_start3A_236 : memref<1000000x128xf32, #tpu.memory_space<hbm>>) target(%arg8 : memref<200x128xf32, #tpu.memory_space<vmem>>) offsets(%dma_start3A_233 : memref<200xi32, #tpu.memory_space<vmem>>) semaphore(%arg12 : memref<!tpu.dma_semaphore, #tpu.memory_space<semaphore_mem>>)
      %mul3A_237 = arith.constant 4 : i32
      %mul3A_238 = arith.muli %scan3A_128, %mul3A_237 : i32
      %add3A_239 = arith.constant 3 : i32
      %add3A_240 = arith.addi %mul3A_238, %add3A_239 : i32
      %mul3A_241 = arith.constant 200 : i32
      %mul3A_242 = arith.muli %add3A_240, %mul3A_241 : i32
      %dma_wait3A_243 = tpu.memref_slice %arg5[%mul3A_242] : memref<25600xi32, #tpu.memory_space<vmem>> -> memref<200xi32, #tpu.memory_space<vmem>>
      %dma_wait3A_244 = arith.constant 0 : i32
      %dma_wait3A_245 = arith.constant 0 : i32
      %dma_wait3A_246 = tpu.memref_slice %arg3[%dma_wait3A_244, %dma_wait3A_245] : memref<1000000x128xf32, #tpu.memory_space<hbm>> -> memref<1000000x128xf32, #tpu.memory_space<hbm>>
      tpu.wait_indirect_dma semaphore(%arg13 : memref<!tpu.dma_semaphore, #tpu.memory_space<semaphore_mem>>) src(%dma_wait3A_246 : memref<1000000x128xf32, #tpu.memory_space<hbm>>) dst(%arg9 : memref<200x128xf32, #tpu.memory_space<vmem>>)
      %add3A_247 = arith.addi %mul3A_2, %add3A_240 : i32
      %dma_start3A_248 = arith.constant 0 : i32
      %dma_start3A_249 = arith.constant 0 : i32
      %dma_start3A_250 = tpu.memref_slice %arg4[%add3A_247, %dma_start3A_248, %dma_start3A_249] : memref<4096x200x128xf32, #tpu.memory_space<hbm>> -> memref<1x200x128xf32, #tpu.memory_space<hbm>>
      %dma_start3A_251 = tpu.memref_squeeze %dma_start3A_250 : memref<1x200x128xf32, #tpu.memory_space<hbm>> -> memref<200x128xf32, #tpu.memory_space<hbm>>
      %dma_start3A_252 = arith.constant 0 : i32
      %dma_start3A_253 = arith.constant 0 : i32
      %dma_start3A_254 = tpu.memref_slice %arg4[%add3A_247, %dma_start3A_252, %dma_start3A_253] : memref<4096x200x128xf32, #tpu.memory_space<hbm>> -> memref<1x200x128xf32, #tpu.memory_space<hbm>>
      %dma_start3A_255 = tpu.memref_squeeze %dma_start3A_254 : memref<1x200x128xf32, #tpu.memory_space<hbm>> -> memref<200x128xf32, #tpu.memory_space<hbm>>
      tpu.enqueue_dma source(%arg9 : memref<200x128xf32, #tpu.memory_space<vmem>>) target(%dma_start3A_255 : memref<200x128xf32, #tpu.memory_space<hbm>>) target_semaphore(%arg17 : memref<!tpu.dma_semaphore, #tpu.memory_space<semaphore_mem>>)
      %add3A_256 = arith.addi %mul3A_2, %add3A_240 : i32
      %dma_wait3A_257 = arith.constant 0 : i32
      %dma_wait3A_258 = arith.constant 0 : i32
      %dma_wait3A_259 = tpu.memref_slice %arg4[%add3A_256, %dma_wait3A_257, %dma_wait3A_258] : memref<4096x200x128xf32, #tpu.memory_space<hbm>> -> memref<1x200x128xf32, #tpu.memory_space<hbm>>
      %dma_wait3A_260 = tpu.memref_squeeze %dma_wait3A_259 : memref<1x200x128xf32, #tpu.memory_space<hbm>> -> memref<200x128xf32, #tpu.memory_space<hbm>>
      %dma_wait3A_261 = arith.constant 0 : i32
      %dma_wait3A_262 = arith.constant 0 : i32
      %dma_wait3A_263 = tpu.memref_slice %arg4[%add3A_256, %dma_wait3A_261, %dma_wait3A_262] : memref<4096x200x128xf32, #tpu.memory_space<hbm>> -> memref<1x200x128xf32, #tpu.memory_space<hbm>>
      %dma_wait3A_264 = tpu.memref_squeeze %dma_wait3A_263 : memref<1x200x128xf32, #tpu.memory_space<hbm>> -> memref<200x128xf32, #tpu.memory_space<hbm>>
      tpu.wait_dma2 semaphore(%arg17 : memref<!tpu.dma_semaphore, #tpu.memory_space<semaphore_mem>>) src(%arg9 : memref<200x128xf32, #tpu.memory_space<vmem>>) dst(%dma_wait3A_264 : memref<200x128xf32, #tpu.memory_space<hbm>>)
      %add3A_265 = arith.constant 4 : i32
      %add3A_266 = arith.addi %add3A_240, %add3A_265 : i32
      %mul3A_267 = arith.constant 200 : i32
      %mul3A_268 = arith.muli %add3A_266, %mul3A_267 : i32
      %dma_start3A_269 = tpu.memref_slice %arg5[%mul3A_268] : memref<25600xi32, #tpu.memory_space<vmem>> -> memref<200xi32, #tpu.memory_space<vmem>>
      %dma_start3A_270 = arith.constant 0 : i32
      %dma_start3A_271 = arith.constant 0 : i32
      %dma_start3A_272 = tpu.memref_slice %arg3[%dma_start3A_270, %dma_start3A_271] : memref<1000000x128xf32, #tpu.memory_space<hbm>> -> memref<1000000x128xf32, #tpu.memory_space<hbm>>
      tpu.enqueue_indirect_dma source(%dma_start3A_272 : memref<1000000x128xf32, #tpu.memory_space<hbm>>) target(%arg9 : memref<200x128xf32, #tpu.memory_space<vmem>>) offsets(%dma_start3A_269 : memref<200xi32, #tpu.memory_space<vmem>>) semaphore(%arg13 : memref<!tpu.dma_semaphore, #tpu.memory_space<semaphore_mem>>)
    }
    %scan3A_28 = arith.constant 31 : i32
    %dma_wait3A = arith.constant 24800 : i32
    %dma_wait3A_29 = tpu.memref_slice %arg5[%dma_wait3A] : memref<25600xi32, #tpu.memory_space<vmem>> -> memref<200xi32, #tpu.memory_space<vmem>>
    %dma_wait3A_30 = arith.constant 0 : i32
    %dma_wait3A_31 = arith.constant 0 : i32
    %dma_wait3A_32 = tpu.memref_slice %arg3[%dma_wait3A_30, %dma_wait3A_31] : memref<1000000x128xf32, #tpu.memory_space<hbm>> -> memref<1000000x128xf32, #tpu.memory_space<hbm>>
    tpu.wait_indirect_dma semaphore(%arg10 : memref<!tpu.dma_semaphore, #tpu.memory_space<semaphore_mem>>) src(%dma_wait3A_32 : memref<1000000x128xf32, #tpu.memory_space<hbm>>) dst(%arg6 : memref<200x128xf32, #tpu.memory_space<vmem>>)
    %add3A_33 = arith.constant 124 : i32
    %add3A_34 = arith.addi %mul3A_2, %add3A_33 : i32
    %dma_start3A_35 = arith.constant 0 : i32
    %dma_start3A_36 = arith.constant 0 : i32
    %dma_start3A_37 = tpu.memref_slice %arg4[%add3A_34, %dma_start3A_35, %dma_start3A_36] : memref<4096x200x128xf32, #tpu.memory_space<hbm>> -> memref<1x200x128xf32, #tpu.memory_space<hbm>>
    %dma_start3A_38 = tpu.memref_squeeze %dma_start3A_37 : memref<1x200x128xf32, #tpu.memory_space<hbm>> -> memref<200x128xf32, #tpu.memory_space<hbm>>
    %dma_start3A_39 = arith.constant 0 : i32
    %dma_start3A_40 = arith.constant 0 : i32
    %dma_start3A_41 = tpu.memref_slice %arg4[%add3A_34, %dma_start3A_39, %dma_start3A_40] : memref<4096x200x128xf32, #tpu.memory_space<hbm>> -> memref<1x200x128xf32, #tpu.memory_space<hbm>>
    %dma_start3A_42 = tpu.memref_squeeze %dma_start3A_41 : memref<1x200x128xf32, #tpu.memory_space<hbm>> -> memref<200x128xf32, #tpu.memory_space<hbm>>
    tpu.enqueue_dma source(%arg6 : memref<200x128xf32, #tpu.memory_space<vmem>>) target(%dma_start3A_42 : memref<200x128xf32, #tpu.memory_space<hbm>>) target_semaphore(%arg14 : memref<!tpu.dma_semaphore, #tpu.memory_space<semaphore_mem>>)
    %dma_wait3A_43 = arith.constant 25000 : i32
    %dma_wait3A_44 = tpu.memref_slice %arg5[%dma_wait3A_43] : memref<25600xi32, #tpu.memory_space<vmem>> -> memref<200xi32, #tpu.memory_space<vmem>>
    %dma_wait3A_45 = arith.constant 0 : i32
    %dma_wait3A_46 = arith.constant 0 : i32
    %dma_wait3A_47 = tpu.memref_slice %arg3[%dma_wait3A_45, %dma_wait3A_46] : memref<1000000x128xf32, #tpu.memory_space<hbm>> -> memref<1000000x128xf32, #tpu.memory_space<hbm>>
    tpu.wait_indirect_dma semaphore(%arg11 : memref<!tpu.dma_semaphore, #tpu.memory_space<semaphore_mem>>) src(%dma_wait3A_47 : memref<1000000x128xf32, #tpu.memory_space<hbm>>) dst(%arg7 : memref<200x128xf32, #tpu.memory_space<vmem>>)
    %add3A_48 = arith.constant 125 : i32
    %add3A_49 = arith.addi %mul3A_2, %add3A_48 : i32
    %dma_start3A_50 = arith.constant 0 : i32
    %dma_start3A_51 = arith.constant 0 : i32
    %dma_start3A_52 = tpu.memref_slice %arg4[%add3A_49, %dma_start3A_50, %dma_start3A_51] : memref<4096x200x128xf32, #tpu.memory_space<hbm>> -> memref<1x200x128xf32, #tpu.memory_space<hbm>>
    %dma_start3A_53 = tpu.memref_squeeze %dma_start3A_52 : memref<1x200x128xf32, #tpu.memory_space<hbm>> -> memref<200x128xf32, #tpu.memory_space<hbm>>
    %dma_start3A_54 = arith.constant 0 : i32
    %dma_start3A_55 = arith.constant 0 : i32
    %dma_start3A_56 = tpu.memref_slice %arg4[%add3A_49, %dma_start3A_54, %dma_start3A_55] : memref<4096x200x128xf32, #tpu.memory_space<hbm>> -> memref<1x200x128xf32, #tpu.memory_space<hbm>>
    %dma_start3A_57 = tpu.memref_squeeze %dma_start3A_56 : memref<1x200x128xf32, #tpu.memory_space<hbm>> -> memref<200x128xf32, #tpu.memory_space<hbm>>
    tpu.enqueue_dma source(%arg7 : memref<200x128xf32, #tpu.memory_space<vmem>>) target(%dma_start3A_57 : memref<200x128xf32, #tpu.memory_space<hbm>>) target_semaphore(%arg15 : memref<!tpu.dma_semaphore, #tpu.memory_space<semaphore_mem>>)
    %dma_wait3A_58 = arith.constant 25200 : i32
    %dma_wait3A_59 = tpu.memref_slice %arg5[%dma_wait3A_58] : memref<25600xi32, #tpu.memory_space<vmem>> -> memref<200xi32, #tpu.memory_space<vmem>>
    %dma_wait3A_60 = arith.constant 0 : i32
    %dma_wait3A_61 = arith.constant 0 : i32
    %dma_wait3A_62 = tpu.memref_slice %arg3[%dma_wait3A_60, %dma_wait3A_61] : memref<1000000x128xf32, #tpu.memory_space<hbm>> -> memref<1000000x128xf32, #tpu.memory_space<hbm>>
    tpu.wait_indirect_dma semaphore(%arg12 : memref<!tpu.dma_semaphore, #tpu.memory_space<semaphore_mem>>) src(%dma_wait3A_62 : memref<1000000x128xf32, #tpu.memory_space<hbm>>) dst(%arg8 : memref<200x128xf32, #tpu.memory_space<vmem>>)
    %add3A_63 = arith.constant 126 : i32
    %add3A_64 = arith.addi %mul3A_2, %add3A_63 : i32
    %dma_start3A_65 = arith.constant 0 : i32
    %dma_start3A_66 = arith.constant 0 : i32
    %dma_start3A_67 = tpu.memref_slice %arg4[%add3A_64, %dma_start3A_65, %dma_start3A_66] : memref<4096x200x128xf32, #tpu.memory_space<hbm>> -> memref<1x200x128xf32, #tpu.memory_space<hbm>>
    %dma_start3A_68 = tpu.memref_squeeze %dma_start3A_67 : memref<1x200x128xf32, #tpu.memory_space<hbm>> -> memref<200x128xf32, #tpu.memory_space<hbm>>
    %dma_start3A_69 = arith.constant 0 : i32
    %dma_start3A_70 = arith.constant 0 : i32
    %dma_start3A_71 = tpu.memref_slice %arg4[%add3A_64, %dma_start3A_69, %dma_start3A_70] : memref<4096x200x128xf32, #tpu.memory_space<hbm>> -> memref<1x200x128xf32, #tpu.memory_space<hbm>>
    %dma_start3A_72 = tpu.memref_squeeze %dma_start3A_71 : memref<1x200x128xf32, #tpu.memory_space<hbm>> -> memref<200x128xf32, #tpu.memory_space<hbm>>
    tpu.enqueue_dma source(%arg8 : memref<200x128xf32, #tpu.memory_space<vmem>>) target(%dma_start3A_72 : memref<200x128xf32, #tpu.memory_space<hbm>>) target_semaphore(%arg16 : memref<!tpu.dma_semaphore, #tpu.memory_space<semaphore_mem>>)
    %dma_wait3A_73 = arith.constant 25400 : i32
    %dma_wait3A_74 = tpu.memref_slice %arg5[%dma_wait3A_73] : memref<25600xi32, #tpu.memory_space<vmem>> -> memref<200xi32, #tpu.memory_space<vmem>>
    %dma_wait3A_75 = arith.constant 0 : i32
    %dma_wait3A_76 = arith.constant 0 : i32
    %dma_wait3A_77 = tpu.memref_slice %arg3[%dma_wait3A_75, %dma_wait3A_76] : memref<1000000x128xf32, #tpu.memory_space<hbm>> -> memref<1000000x128xf32, #tpu.memory_space<hbm>>
    tpu.wait_indirect_dma semaphore(%arg13 : memref<!tpu.dma_semaphore, #tpu.memory_space<semaphore_mem>>) src(%dma_wait3A_77 : memref<1000000x128xf32, #tpu.memory_space<hbm>>) dst(%arg9 : memref<200x128xf32, #tpu.memory_space<vmem>>)
    %add3A_78 = arith.constant 127 : i32
    %add3A_79 = arith.addi %mul3A_2, %add3A_78 : i32
    %dma_start3A_80 = arith.constant 0 : i32
    %dma_start3A_81 = arith.constant 0 : i32
    %dma_start3A_82 = tpu.memref_slice %arg4[%add3A_79, %dma_start3A_80, %dma_start3A_81] : memref<4096x200x128xf32, #tpu.memory_space<hbm>> -> memref<1x200x128xf32, #tpu.memory_space<hbm>>
    %dma_start3A_83 = tpu.memref_squeeze %dma_start3A_82 : memref<1x200x128xf32, #tpu.memory_space<hbm>> -> memref<200x128xf32, #tpu.memory_space<hbm>>
    %dma_start3A_84 = arith.constant 0 : i32
    %dma_start3A_85 = arith.constant 0 : i32
    %dma_start3A_86 = tpu.memref_slice %arg4[%add3A_79, %dma_start3A_84, %dma_start3A_85] : memref<4096x200x128xf32, #tpu.memory_space<hbm>> -> memref<1x200x128xf32, #tpu.memory_space<hbm>>
    %dma_start3A_87 = tpu.memref_squeeze %dma_start3A_86 : memref<1x200x128xf32, #tpu.memory_space<hbm>> -> memref<200x128xf32, #tpu.memory_space<hbm>>
    tpu.enqueue_dma source(%arg9 : memref<200x128xf32, #tpu.memory_space<vmem>>) target(%dma_start3A_87 : memref<200x128xf32, #tpu.memory_space<hbm>>) target_semaphore(%arg17 : memref<!tpu.dma_semaphore, #tpu.memory_space<semaphore_mem>>)
    %add3A_88 = arith.constant 124 : i32
    %add3A_89 = arith.addi %mul3A_2, %add3A_88 : i32
    %dma_wait3A_90 = arith.constant 0 : i32
    %dma_wait3A_91 = arith.constant 0 : i32
    %dma_wait3A_92 = tpu.memref_slice %arg4[%add3A_89, %dma_wait3A_90, %dma_wait3A_91] : memref<4096x200x128xf32, #tpu.memory_space<hbm>> -> memref<1x200x128xf32, #tpu.memory_space<hbm>>
    %dma_wait3A_93 = tpu.memref_squeeze %dma_wait3A_92 : memref<1x200x128xf32, #tpu.memory_space<hbm>> -> memref<200x128xf32, #tpu.memory_space<hbm>>
    %dma_wait3A_94 = arith.constant 0 : i32
    %dma_wait3A_95 = arith.constant 0 : i32
    %dma_wait3A_96 = tpu.memref_slice %arg4[%add3A_89, %dma_wait3A_94, %dma_wait3A_95] : memref<4096x200x128xf32, #tpu.memory_space<hbm>> -> memref<1x200x128xf32, #tpu.memory_space<hbm>>
    %dma_wait3A_97 = tpu.memref_squeeze %dma_wait3A_96 : memref<1x200x128xf32, #tpu.memory_space<hbm>> -> memref<200x128xf32, #tpu.memory_space<hbm>>
    tpu.wait_dma2 semaphore(%arg14 : memref<!tpu.dma_semaphore, #tpu.memory_space<semaphore_mem>>) src(%arg6 : memref<200x128xf32, #tpu.memory_space<vmem>>) dst(%dma_wait3A_97 : memref<200x128xf32, #tpu.memory_space<hbm>>)
    %add3A_98 = arith.constant 125 : i32
    %add3A_99 = arith.addi %mul3A_2, %add3A_98 : i32
    %dma_wait3A_100 = arith.constant 0 : i32
    %dma_wait3A_101 = arith.constant 0 : i32
    %dma_wait3A_102 = tpu.memref_slice %arg4[%add3A_99, %dma_wait3A_100, %dma_wait3A_101] : memref<4096x200x128xf32, #tpu.memory_space<hbm>> -> memref<1x200x128xf32, #tpu.memory_space<hbm>>
    %dma_wait3A_103 = tpu.memref_squeeze %dma_wait3A_102 : memref<1x200x128xf32, #tpu.memory_space<hbm>> -> memref<200x128xf32, #tpu.memory_space<hbm>>
    %dma_wait3A_104 = arith.constant 0 : i32
    %dma_wait3A_105 = arith.constant 0 : i32
    %dma_wait3A_106 = tpu.memref_slice %arg4[%add3A_99, %dma_wait3A_104, %dma_wait3A_105] : memref<4096x200x128xf32, #tpu.memory_space<hbm>> -> memref<1x200x128xf32, #tpu.memory_space<hbm>>
    %dma_wait3A_107 = tpu.memref_squeeze %dma_wait3A_106 : memref<1x200x128xf32, #tpu.memory_space<hbm>> -> memref<200x128xf32, #tpu.memory_space<hbm>>
    tpu.wait_dma2 semaphore(%arg15 : memref<!tpu.dma_semaphore, #tpu.memory_space<semaphore_mem>>) src(%arg7 : memref<200x128xf32, #tpu.memory_space<vmem>>) dst(%dma_wait3A_107 : memref<200x128xf32, #tpu.memory_space<hbm>>)
    %add3A_108 = arith.constant 126 : i32
    %add3A_109 = arith.addi %mul3A_2, %add3A_108 : i32
    %dma_wait3A_110 = arith.constant 0 : i32
    %dma_wait3A_111 = arith.constant 0 : i32
    %dma_wait3A_112 = tpu.memref_slice %arg4[%add3A_109, %dma_wait3A_110, %dma_wait3A_111] : memref<4096x200x128xf32, #tpu.memory_space<hbm>> -> memref<1x200x128xf32, #tpu.memory_space<hbm>>
    %dma_wait3A_113 = tpu.memref_squeeze %dma_wait3A_112 : memref<1x200x128xf32, #tpu.memory_space<hbm>> -> memref<200x128xf32, #tpu.memory_space<hbm>>
    %dma_wait3A_114 = arith.constant 0 : i32
    %dma_wait3A_115 = arith.constant 0 : i32
    %dma_wait3A_116 = tpu.memref_slice %arg4[%add3A_109, %dma_wait3A_114, %dma_wait3A_115] : memref<4096x200x128xf32, #tpu.memory_space<hbm>> -> memref<1x200x128xf32, #tpu.memory_space<hbm>>
    %dma_wait3A_117 = tpu.memref_squeeze %dma_wait3A_116 : memref<1x200x128xf32, #tpu.memory_space<hbm>> -> memref<200x128xf32, #tpu.memory_space<hbm>>
    tpu.wait_dma2 semaphore(%arg16 : memref<!tpu.dma_semaphore, #tpu.memory_space<semaphore_mem>>) src(%arg8 : memref<200x128xf32, #tpu.memory_space<vmem>>) dst(%dma_wait3A_117 : memref<200x128xf32, #tpu.memory_space<hbm>>)
    %add3A_118 = arith.constant 127 : i32
    %add3A_119 = arith.addi %mul3A_2, %add3A_118 : i32
    %dma_wait3A_120 = arith.constant 0 : i32
    %dma_wait3A_121 = arith.constant 0 : i32
    %dma_wait3A_122 = tpu.memref_slice %arg4[%add3A_119, %dma_wait3A_120, %dma_wait3A_121] : memref<4096x200x128xf32, #tpu.memory_space<hbm>> -> memref<1x200x128xf32, #tpu.memory_space<hbm>>
    %dma_wait3A_123 = tpu.memref_squeeze %dma_wait3A_122 : memref<1x200x128xf32, #tpu.memory_space<hbm>> -> memref<200x128xf32, #tpu.memory_space<hbm>>
    %dma_wait3A_124 = arith.constant 0 : i32
    %dma_wait3A_125 = arith.constant 0 : i32
    %dma_wait3A_126 = tpu.memref_slice %arg4[%add3A_119, %dma_wait3A_124, %dma_wait3A_125] : memref<4096x200x128xf32, #tpu.memory_space<hbm>> -> memref<1x200x128xf32, #tpu.memory_space<hbm>>
    %dma_wait3A_127 = tpu.memref_squeeze %dma_wait3A_126 : memref<1x200x128xf32, #tpu.memory_space<hbm>> -> memref<200x128xf32, #tpu.memory_space<hbm>>
    tpu.wait_dma2 semaphore(%arg17 : memref<!tpu.dma_semaphore, #tpu.memory_space<semaphore_mem>>) src(%arg9 : memref<200x128xf32, #tpu.memory_space<vmem>>) dst(%dma_wait3A_127 : memref<200x128xf32, #tpu.memory_space<hbm>>)
    return
  }
}

</mosaic_0001>

<sc_bundles>
// kernel: kernel.3.cloned.1.call-start
scs
__scs_entry_jumppad:
0x0: {  	(pc) =	sbr.rel $0x88, $3  }
0x1: {  	(tag) =	ssettag $0x0;
	lr =	simm.s32 $0x1  }
0x2: {  	[smem:$0x3F9F] =	sst lr;
	_ =	strace $0xD0000000  }
0x3: {  	_ = 	snop  }
0x4: {  	_ = 	snop  }
0x5: {  	_ = 	snop  }
0x6: {  	_ = 	snop  }
0x7: {  	_ = 	snop  }
__scs_overlays_trampoline_lowered:
0x8: {  	[smem:$0x3FAE] =	sst s0  }
0x9: {  	[smem:$0x3FAF] =	sst s1  }
0xa: {  	[smem:$0x3FB0] =	sst s2  }
0xb: {  	[smem:$0x3FB1] =	sst s3  }
0xc: {  	[smem:$0x3FB2] =	sst s4  }
0xd: {  	[smem:$0x3FB3] =	sst s5  }
0xe: {  	[smem:$0x3FB4] =	sst s6  }
0xf: {  	[smem:$0x3FB5] =	sst s7  }
0x10: {  	[smem:$0x3FB6] =	sst s8  }
0x11: {  	[smem:$0x3FB7] =	sst s9;
	s0 =	simm.s32 @!p0 $0x0  }
0x12: {  	s1 =	sld [smem:$0x3F9D];
	s0 =	simm.s32 @p0 $0x1  }
0x13: {  	[smem:$0x3FB8] =	sst s0;
	s0 =	simm.s32 @!p1 $0x0  }
0x14: {  	s2 =	sld [smem:$0x3F9C];
	s0 =	simm.s32 @p1 $0x1  }
0x15: {  	[smem:$0x3FB9] =	sst s0;
	s0 =	simm.s32 @!p2 $0x0  }
0x16: {  	s3 =	sld [smem:$0x3FDB];
	s0 =	simm.s32 @p2 $0x1  }
0x17: {  	s4 =	simm.s32 $0x1BF5;
	[smem:$0x3FBB] =	sst s0  }
0x18: {  	s0 =	sld [smem:$0x3F9E];
	_ =	swait.ge [sflag:s4], $0x0  }
0x19: {  	s7 =	sld [smem:$0x3F9F]  }
0x1a: {  	s8 =	sadd.s32 $0xFFFFE003, lr  }
0x1b: {  	s9 =	sadd.s32 $0xFFFFFEF7, lr;
	s5 =	simm.s32 $0xFFFFFFFF;
	p2 =	slt.u32 s8, $0xFFFFF086  }
0x1c: {  	p1 =	slt.u32 s9, $0xF7A;
	s5 =	simm.s32 @!p2 $0x0  }
0x1d: {  	s5 =	simm.s32 @p1 $0x1;
	p0 =	seq.s32 s7, s2  }
0x1e: {  	s7 =	smul.u32 @!p0 $0xF7A, s2;
	p2 =	seq.s32 @!p0 s5, $0x0  }
0x1f: {  	s9 =	smul.u32 $0xF7A, s1;
	s8 =	simm.s32 @!p0 $0x1BF5;
	p2 =	por !p2, p0  }
0x20: {  	[sflag:s8] =	ssyncset.s32 @!p0 $0xFFFFF086;
	s6 =	sadd.s32 @!p0 s3, s7;
	s7 =	simm.s32 @!p0 $0x108  }
0x21: {  	s3 =	sadd.s32 s3, s9;
	s6 =	sadd.s32 @!p0 $0x88, s6;
	s7 =	simm.s32 @p2 $0x1082  }
0x22: {  	[simem:s7], [sflag:s8] =	dma.local @!p0 [hbm:s6], $0xF7A  }
0x23: {  	s9 =	sor.u32 $0xD0000000, s2;
	s6 =	simm.s32 $0x108;
	_ =	swait.ge @!p0 [sflag:s8], $0x0  }
0x24: {  	s3 =	sadd.s32 $0x88, s3;
	s6 =	simm.s32 @!p1 $0x1082;
	[sflag:s4] =	ssyncset.s32 $0xFFFFF086  }
0x25: {  	[simem:s6], [sflag:s4] =	dma.local [hbm:s3], $0xF7A  }
0x26: {  	[smem:$0x3F9F] =	sst s1;
	(tag) =	ssettag s2;
	_ =	strace s9  }
0x27: {  	s1 =	sld [smem:$0x3FAF]  }
0x28: {  	s2 =	sld [smem:$0x3FB0]  }
0x29: {  	s4 =	sld [smem:$0x3FB2]  }
0x2a: {  	p0 =	seq.s32 s5, $0x0;
	s5 =	sld [smem:$0x3FB3]  }
0x2b: {  	s6 =	sld [smem:$0x3FB4]  }
0x2c: {  	s7 =	sld [smem:$0x3FB5]  }
0x2d: {  	s3 =	simm.s32 $0x108;
	s8 =	sld [smem:$0x3FB6]  }
0x2e: {  	s3 =	simm.s32 @!p0 $0x1082;
	s9 =	sld [smem:$0x3FB7]  }
0x2f: {  	lr =	sadd.s32 s0, s3;
	s0 =	sld [smem:$0x3FAE]  }
0x30: {  	s3 =	sld [smem:$0x3FB1]  }
0x31: {  	[smem:$0x3FBA] =	sst s10  }
0x32: {  	s10 =	sld [smem:$0x3FB8];
	_ =	sdelay $0x3  }
0x33: {  	p0 =	seq.s32 s10, $0x1;
	s10 =	sld [smem:$0x3FBA];
	_ =	sdelay $0x3  }
0x34: {  	[smem:$0x3FBA] =	sst s10  }
0x35: {  	s10 =	sld [smem:$0x3FB9];
	_ =	sdelay $0x3  }
0x36: {  	p1 =	seq.s32 s10, $0x1;
	s10 =	sld [smem:$0x3FBA];
	_ =	sdelay $0x3  }
0x37: {  	[smem:$0x3FBA] =	sst s10  }
0x38: {  	s10 =	sld [smem:$0x3FBB]  }
0x39: {  	_ = 	snop;
	(pc) =	sbr.ind lr, $3  }
0x3a: {  	_ = 	snop  }
0x3b: {  	_ = 	snop  }
0x3c: {  	p2 =	seq.s32 s10, $0x1;
	s10 =	sld [smem:$0x3FBA]  }
0x3d: {  	_ =	shalt  }
0x3e: {  	_ =	shalt  }
0x3f: {  	_ =	shalt  }
0x40: {  	_ =	shalt  }
0x41: {  	_ =	shalt  }
0x42: {  	_ =	shalt  }
0x43: {  	_ =	shalt  }
0x44: {  	_ =	shalt  }
0x45: {  	_ =	shalt  }
0x46: {  	_ =	shalt  }
0x47: {  	_ =	shalt  }
0x48: {  	_ =	shalt  }
0x49: {  	_ =	shalt  }
0x4a: {  	_ =	shalt  }
0x4b: {  	_ =	shalt  }
0x4c: {  	_ =	shalt  }
0x4d: {  	_ =	shalt  }
0x4e: {  	_ =	shalt  }
0x4f: {  	_ =	shalt  }
0x50: {  	_ =	shalt  }
0x51: {  	_ =	shalt  }
0x52: {  	_ =	shalt  }
0x53: {  	_ =	shalt  }
0x54: {  	_ =	shalt  }
0x55: {  	_ =	shalt  }
0x56: {  	_ =	shalt  }
0x57: {  	_ =	shalt  }
0x58: {  	_ =	shalt  }
0x59: {  	_ =	shalt  }
0x5a: {  	_ =	shalt  }
0x5b: {  	_ =	shalt  }
0x5c: {  	_ =	shalt  }
0x5d: {  	_ =	shalt  }
0x5e: {  	_ =	shalt  }
0x5f: {  	_ =	shalt  }
0x60: {  	_ =	shalt  }
0x61: {  	_ =	shalt  }
0x62: {  	_ =	shalt  }
0x63: {  	_ =	shalt  }
0x64: {  	_ =	shalt  }
0x65: {  	_ =	shalt  }
0x66: {  	_ =	shalt  }
0x67: {  	_ =	shalt  }
0x68: {  	_ =	shalt  }
0x69: {  	_ =	shalt  }
0x6a: {  	_ =	shalt  }
0x6b: {  	_ =	shalt  }
0x6c: {  	_ =	shalt  }
0x6d: {  	_ =	shalt  }
0x6e: {  	_ =	shalt  }
0x6f: {  	_ =	shalt  }
0x70: {  	_ =	shalt  }
0x71: {  	_ =	shalt  }
0x72: {  	_ =	shalt  }
0x73: {  	_ =	shalt  }
0x74: {  	_ =	shalt  }
0x75: {  	_ =	shalt  }
0x76: {  	_ =	shalt  }
0x77: {  	_ =	shalt  }
0x78: {  	_ =	shalt  }
0x79: {  	_ =	shalt  }
0x7a: {  	_ =	shalt  }
0x7b: {  	_ =	shalt  }
0x7c: {  	_ =	shalt  }
0x7d: {  	_ =	shalt  }
0x7e: {  	_ =	shalt  }
0x7f: {  	_ =	shalt  }
0x80: {  	_ =	shalt  }
0x81: {  	_ =	shalt  }
0x82: {  	_ =	shalt  }
0x83: {  	_ =	shalt  }
0x84: {  	_ =	shalt  }
0x85: {  	_ =	shalt  }
0x86: {  	_ =	shalt  }
0x87: {  	_ =	shalt  }
.Lfunc_end0:
.L_simem_size_0:
called_computation_lowered:
.L_overlay_start_0:
0x88: {  	s2 =	sld [smem:$0x3FD9]  }
0x89: {  	s3 =	sld [smem:$0x3FFE];
	_ =	sdelay $0x1  }
0x8a: {  	s1 =	srdreg.scid  }
0x8b: {  	s0 =	sand.u32 $0x1, s1  }
0x8c: {  	s17 =	sshll.u32 s0, $0xA;
	s2 =	sadd.s32 s3, s2  }
0x8d: {  	s2 =	sadd.s32 s2, s17  }
0x8e: {  	[smem:$0x3FC6] =	sst s2  }
0x8f: {  	_ = 	snop  }
0x90: {  	s2 =	sld [smem:$0x3FC8]  }
0x91: {  	s18 =	sld [smem:$0x3FD0];
	(tm) =	ssettm $0x1  }
0x92: {  	s4 =	sld [smem:$0x3FFB];
	_ =	sdelay $0x3  }
0x93: {  	_ =	strace s4  }
0x94: {  	s4 =	sld [smem:$0x3FFC];
	_ =	sdelay $0x3  }
0x95: {  	_ =	strace s4  }
0x96: {  	s4 =	sld [smem:$0x3FFD];
	_ =	sdelay $0x3  }
0x97: {  	_ =	strace s4  }
0x98: {  	_ =	strace $0x8FFFFFFF  }
0x99: {  	s19 =	sld [smem:$0x3FDB];
	_ =	sdelay $0x1  }
0x9a: {  	s5 =	simm.s32 $_scs_section_size  }
0x9b: {  	s6 =	simm.s32 $_size__tile_overlayer_lowered;
	s7 =	simm.s32 $_tile_overlayer_lowered  }
0x9c: {  	s22 =	simm.s32 $0x1BFF;
	s21 =	sshll.u32 s7, $0x1;
	s4 =	sadd.s32 s5, s19  }
0x9d: {  	s8 =	simm.s32 $0x0;
	s20 =	sshll.u32 s6, $0x1;
	s6 =	sadd.s32 s21, s4  }
0x9e: {  	[timem:s8], [sflag:s22] =	dma.local [hbm:s6], s20  }
0x9f: {  	_ =	swait.ge [sflag:s22], s20  }
0xa0: {  	s5 =	ssub.s32 $0x0, s20;
	[sflag:s22] =	ssyncset.done $0x0  }
0xa1: {  	[sflag:s22] =	ssyncadd.s32 s5;
	_ =	sdelay $0x1  }
0xa2: {  	s23 =	simm.s32 $0x1B8B  }
0xa3: {  	_ =	swait.ge [sflag:s23], $0x1  }
0xa4: {  	[sflag:s23] =	ssyncset.done $0x0  }
0xa5: {  	s25 =	simm.s32 $0x1B8E;
	s24 =	sld [smem:$0x3FFE];
	[sflag:s23] =	ssyncadd.s32 $0xFFFFFFFF  }
0xa6: {  	s26 =	simm.s32 $execute0_lowered;
	[smem:$0x3FD2] =	sst s25  }
0xa7: {  	s6 =	sshll.u32 s26, $0x1;
	_ =	strace $0x80000046;
	[dreg:$0x1] =	wrdreg $0xFFFFFFFF  }
0xa8: {  	s28 =	simm.s32 $_size_execute0_lowered;
	s4 =	sadd.s32 s4, s6;
	[dreg:$0x0] =	wrdreg $0x0  }
0xa9: {  	s6 =	sshll.u32 s28, $0x1;
	[dreg:$0x2] =	wrdreg s4  }
0xaa: {  	[dreg:$0x3] =	wrdreg s6  }
0xab: {  	[dreg:$0x4] =	wrdreg $0xC0  }
0xac: {  	_ =	task [dreg:s8], $0x5FFFF  }
0xad: {  	[dreg:$0x1] =	wrdreg $0xFFFFFFFF  }
0xae: {  	[dreg:$0x0] =	wrdreg $0x60  }
0xaf: {  	[dreg:$0x2] =	wrdreg s24  }
0xb0: {  	[dreg:$0x3] =	wrdreg s2  }
0xb1: {  	[dreg:$0x4] =	wrdreg s18  }
0xb2: {  	[dreg:$0x5] =	wrdreg $0x9  }
0xb3: {  	_ =	task.clear_ibuf [dreg:s8], $0x6FFFF;
	_ =	strace $0x90000046  }
0xb4: {  	s29 =	simm.s32 $0x9;
	_ =	strace $0x80000048  }
0xb5: {  	_ =	swait.ge [sflag:s29], $0x1  }
0xb6: {  	[sflag:s29] =	ssyncadd.s32 $0xFFFFFFFF  }
0xb7: {  	_ =	strace $0x90000048  }
0xb8: {  	_ =	sfence  }
0xb9: {  	s30 =	sld [smem:$0x0];
	_ =	sdelay $0x2  }
0xba: {  	s31 =	sshll.u32 s1, $0xD;
	s1 =	sshrl.u32 s1, $0x2  }
0xbb: {  	s3 =	sand.u32 $0x4000, s31;
	s1 =	sadd.s32 s1, s30  }
0xbc: {  	s0 =	sor.u32 s3, s0;
	s1 =	sshll.u32 s1, $0x11  }
0xbd: {  	s0 =	sor.u32 s1, s0  }
0xbe: {  	s0 =	sadd.s32 $0x8F2B, s0  }
0xbf: {  	[sflag:s0] =	ssyncadd.remote.s32 $0x1  }
0xc0: {  	_ =	sfence.sel $0xFFFF  }
0xc1: {  	[dreg:$0x0] =	wrdreg $0xFFFFFFFF;
	(pc) =	sbr.abs _section_cstart, $3  }
0xc2: {  	[dreg:$0x1] =	wrdreg $0xFFFFFFFF  }
0xc3: {  	_ =	task.clear_ibuf [dreg:s8], $0x2FFFF;
	_ =	strace $0x9FFFFFFF  }
0xc4: {  	(tm) =	ssettm $0x7FFFFFFF  }
0xc5: {  	_ =	shalt  }
tec
execute0_lowered:
.L_overlay_start_1:
0x0: {  	(tag) =	ssettag $0x1  }
0x1: {  	s4 =	rddreg [dreg:$0x0];
	s1 =	srdreg.scid  }
0x2: {  	s0 =	stileid.u32;
	s2 =	rddreg [dreg:$0x1]  }
0x3: {  	s10 =	rddreg [dreg:$0x2];
	s3 =	simm.s32 $0x0;
	s14 =	simm.s32 $0xC800  }
0x4: {  	s15 =	simm.s32 $0x190;
	s16 =	simm.s32 $0x12C00;
	s17 =	simm.s32 $0x258  }
0x5: {  	s18 =	simm.s32 $0x19000;
	s19 =	simm.s32 $0x1;
	s20 =	simm.s32 $0x5  }
0x6: {  	s21 =	simm.s32 $0x2;
	s22 =	simm.s32 $0x6;
	s23 =	simm.s32 $0x3  }
0x7: {  	s24 =	simm.s32 $0x7;
	s8 =	sand.u32 $0x1, s1;
	s31 =	sshll.u32 s0, $0x1  }
0x8: {  	s25 =	simm.s32 $0x4;
	s12 =	smul.u32 $0xC8000, s0;
	s5 =	sor.u32 s8, s31  }
0x9: {  	s26 =	simm.s32 $0x8;
	s28 =	simm.s32 $0x0;
	s6 =	smul.u32 $0x320000, s5  }
0xa: {  	[smem:$0x7FF] =	sst s3;
	s7 =	ssub.s32 $0x2, s8;
	s5 =	smul.u32 $0xC80, s5  }
0xb: {  	_ =	strace $0x80000047;
	s13 =	smul.u32 $0x64000, s8;
	s9 =	sshrl.u32 s7, $0x1  }
0xc: {  	s9 =	ssub.s32 s7, s9;
	s6 =	sshrl.u32 s6, $0x3;
	s4 =	sadd.s32 s5, s4  }
0xd: {  	s9 =	smax.u32 s9, $0x1;
	s11 =	sadd.s32 s10, s6;
	s4 =	sadd.s32 $0x400, s4  }
0xe: {  	s10 =	sadd.s32 s12, s10;
	s12 =	simm.s32 $0xC8;
	s5 =	sadd.s32 $0x60E00, s11  }
0xf: {  	s6 =	sadd.s32 $0x61A80, s11;
	s7 =	sadd.s32 $0x62700, s11;
	s8 =	sadd.s32 $0x63380, s11  }
0x10: {  	s10 =	sadd.s32 s13, s10;
	s11 =	simm.s32 $0x9;
	s13 =	simm.s32 $0x6400  }
.LBB2_1:
0x11: {  	[tilespmem:s3], [sflag:$0x9] =	stream.linear.gather [hbm4b:s4+s3], $0x6400, $0x38;
	[tilespmem:$0x1F400] =	vst v63  }
0x12: {  	_ =	swait.ge [sflag:s11], $0x6400  }
0x13: {  	[sflag:s11] =	ssyncset.done $0x0  }
0x14: {  	[sflag:s11] =	ssyncadd.s32 $0xFFFF9C00  }
0x15: {  	[tilespmem:s13], [sflag:$0x1] =	stream.indirect.gather [hbm4b:s2+s12], $0x80, s3, s12, $0xb8;
	[tilespmem:$0x1F400] =	vst v63  }
0x16: {  	_ = 	snop  }
0x17: {  	[tilespmem:s14], [sflag:$0x2] =	stream.indirect.gather [hbm4b:s2+s12], $0x80, s12, s12, $0xb8;
	[tilespmem:$0x1F400] =	vst v63  }
0x18: {  	_ = 	snop  }
0x19: {  	[tilespmem:s16], [sflag:$0x3] =	stream.indirect.gather [hbm4b:s2+s12], $0x80, s15, s12, $0xb8;
	[tilespmem:$0x1F400] =	vst v63  }
0x1a: {  	_ = 	snop  }
0x1b: {  	[tilespmem:s18], [sflag:$0x4] =	stream.indirect.gather [hbm4b:s2+s12], $0x80, s17, s12, $0xb8;
	[tilespmem:$0x1F400] =	vst v63  }
0x1c: {  	_ =	swait.ge [sflag:s19], $0x6400  }
0x1d: {  	[sflag:s19] =	ssyncset.done $0x0  }
0x1e: {  	[sflag:s19] =	ssyncadd.s32 $0xFFFF9C00  }
0x1f: {  	[hbm4b:s10+s3] =	stream.linear.scatter [tilespmem:s13], [sflag:$0x5], $0x6400, $0x38;
	[tilespmem:$0x1F400] =	vst v63  }
0x20: {  	_ =	swait.ge [sflag:s20], $0x6400  }
0x21: {  	[sflag:s20] =	ssyncset.done $0x0  }
0x22: {  	s29 =	simm.s32 $0x320;
	[sflag:s20] =	ssyncadd.s32 $0xFFFF9C00  }
0x23: {  	[tilespmem:s13], [sflag:$0x1] =	stream.indirect.gather [hbm4b:s2+s12], $0x80, s29, s12, $0xb8;
	[tilespmem:$0x1F400] =	vst v63  }
0x24: {  	_ =	swait.ge [sflag:s21], $0x6400  }
0x25: {  	[sflag:s21] =	ssyncset.done $0x0  }
0x26: {  	s29 =	sadd.s32 $0xC80, s10;
	[sflag:s21] =	ssyncadd.s32 $0xFFFF9C00  }
0x27: {  	[hbm4b:s29+s3] =	stream.linear.scatter [tilespmem:s14], [sflag:$0x6], $0x6400, $0x38;
	[tilespmem:$0x1F400] =	vst v63  }
0x28: {  	_ =	swait.ge [sflag:s22], $0x6400  }
0x29: {  	[sflag:s22] =	ssyncset.done $0x0  }
0x2a: {  	s29 =	simm.s32 $0x3E8;
	[sflag:s22] =	ssyncadd.s32 $0xFFFF9C00  }
0x2b: {  	[tilespmem:s14], [sflag:$0x2] =	stream.indirect.gather [hbm4b:s2+s12], $0x80, s29, s12, $0xb8;
	[tilespmem:$0x1F400] =	vst v63  }
0x2c: {  	_ =	swait.ge [sflag:s23], $0x6400  }
0x2d: {  	[sflag:s23] =	ssyncset.done $0x0  }
0x2e: {  	s29 =	sadd.s32 $0x1900, s10;
	[sflag:s23] =	ssyncadd.s32 $0xFFFF9C00  }
0x2f: {  	[hbm4b:s29+s3] =	stream.linear.scatter [tilespmem:s16], [sflag:$0x7], $0x6400, $0x38;
	[tilespmem:$0x1F400] =	vst v63  }
0x30: {  	_ =	swait.ge [sflag:s24], $0x6400  }
0x31: {  	[sflag:s24] =	ssyncset.done $0x0  }
0x32: {  	s29 =	simm.s32 $0x4B0;
	[sflag:s24] =	ssyncadd.s32 $0xFFFF9C00  }
0x33: {  	[tilespmem:s16], [sflag:$0x3] =	stream.indirect.gather [hbm4b:s2+s12], $0x80, s29, s12, $0xb8;
	[tilespmem:$0x1F400] =	vst v63  }
0x34: {  	_ =	swait.ge [sflag:s25], $0x6400  }
0x35: {  	[sflag:s25] =	ssyncset.done $0x0  }
0x36: {  	s29 =	sadd.s32 $0x2580, s10;
	[sflag:s25] =	ssyncadd.s32 $0xFFFF9C00  }
0x37: {  	[hbm4b:s29+s3] =	stream.linear.scatter [tilespmem:s18], [sflag:$0x8], $0x6400, $0x38;
	[tilespmem:$0x1F400] =	vst v63  }
0x38: {  	_ =	swait.ge [sflag:s26], $0x6400  }
0x39: {  	s31 =	simm.s32 $0x578;
	[sflag:s26] =	ssyncset.done $0x0  }
0x3a: {  	s30 =	sadd.s32 $0x3200, s10;
	s29 =	simm.s32 $0xC80;
	[sflag:s26] =	ssyncadd.s32 $0xFFFF9C00  }
.LBB2_2:
0x3b: {  	[tilespmem:s18], [sflag:$0x4] =	stream.indirect.gather [hbm4b:s2+s12], $0x80, s31, s12, $0xb8;
	[tilespmem:$0x1F400] =	vst v63  }
0x3c: {  	s31 =	smov.u32 s29  }
0x3d: {  	p0 =	sne.s32 s29, $0x17700;
	s29 =	sadd.s32 $0xC80, s29;
	_ =	swait.ge [sflag:s19], $0x6400  }
0x3e: {  	[sflag:s19] =	ssyncset.done $0x0  }
0x3f: {  	[sflag:s19] =	ssyncadd.s32 $0xFFFF9C00  }
0x40: {  	[hbm4b:s30+s3] =	stream.linear.scatter [tilespmem:s13], [sflag:$0x5], $0x6400, $0x38;
	[tilespmem:$0x1F400] =	vst v63  }
0x41: {  	_ =	swait.ge [sflag:s20], $0x6400  }
0x42: {  	s31 =	sshra.s32 s31, $0x2;
	[sflag:s20] =	ssyncset.done $0x0  }
0x43: {  	s1 =	sadd.s32 $0x320, s31;
	[sflag:s20] =	ssyncadd.s32 $0xFFFF9C00  }
0x44: {  	[tilespmem:s13], [sflag:$0x1] =	stream.indirect.gather [hbm4b:s2+s12], $0x80, s1, s12, $0xb8;
	[tilespmem:$0x1F400] =	vst v63  }
0x45: {  	_ =	swait.ge [sflag:s21], $0x6400  }
0x46: {  	[sflag:s21] =	ssyncset.done $0x0  }
0x47: {  	s1 =	sadd.s32 $0xC80, s30;
	[sflag:s21] =	ssyncadd.s32 $0xFFFF9C00  }
0x48: {  	[hbm4b:s1+s3] =	stream.linear.scatter [tilespmem:s14], [sflag:$0x6], $0x6400, $0x38;
	[tilespmem:$0x1F400] =	vst v63  }
0x49: {  	_ =	swait.ge [sflag:s22], $0x6400  }
0x4a: {  	[sflag:s22] =	ssyncset.done $0x0  }
0x4b: {  	s1 =	sadd.s32 $0x3E8, s31;
	[sflag:s22] =	ssyncadd.s32 $0xFFFF9C00  }
0x4c: {  	[tilespmem:s14], [sflag:$0x2] =	stream.indirect.gather [hbm4b:s2+s12], $0x80, s1, s12, $0xb8;
	[tilespmem:$0x1F400] =	vst v63  }
0x4d: {  	_ =	swait.ge [sflag:s23], $0x6400  }
0x4e: {  	[sflag:s23] =	ssyncset.done $0x0  }
0x4f: {  	s1 =	sadd.s32 $0x1900, s30;
	[sflag:s23] =	ssyncadd.s32 $0xFFFF9C00  }
0x50: {  	[hbm4b:s1+s3] =	stream.linear.scatter [tilespmem:s16], [sflag:$0x7], $0x6400, $0x38;
	[tilespmem:$0x1F400] =	vst v63  }
0x51: {  	_ =	swait.ge [sflag:s24], $0x6400  }
0x52: {  	[sflag:s24] =	ssyncset.done $0x0  }
0x53: {  	s1 =	sadd.s32 $0x4B0, s31;
	[sflag:s24] =	ssyncadd.s32 $0xFFFF9C00  }
0x54: {  	[tilespmem:s16], [sflag:$0x3] =	stream.indirect.gather [hbm4b:s2+s12], $0x80, s1, s12, $0xb8;
	[tilespmem:$0x1F400] =	vst v63  }
0x55: {  	_ =	swait.ge [sflag:s25], $0x6400  }
0x56: {  	[sflag:s25] =	ssyncset.done $0x0  }
.Ltmp0:
0x57: {  	s1 =	sadd.s32 $0x2580, s30;
	[sflag:s25] =	ssyncadd.s32 $0xFFFF9C00;
	(pc) =	sbr.rel @p0 .LBB2_2-.Ltmp0, $4  }
0x58: {  	[hbm4b:s1+s3] =	stream.linear.scatter [tilespmem:s18], [sflag:$0x8], $0x6400, $0x38;
	[tilespmem:$0x1F400] =	vst v63  }
0x59: {  	_ =	swait.ge [sflag:s26], $0x6400  }
0x5a: {  	[sflag:s26] =	ssyncset.done $0x0  }
0x5b: {  	s31 =	sadd.s32 $0x578, s31;
	s30 =	sadd.s32 $0x3200, s30;
	[sflag:s26] =	ssyncadd.s32 $0xFFFF9C00  }
0x5c: {  	[tilespmem:s18], [sflag:$0x4] =	stream.indirect.gather [hbm4b:s2+s12], $0x80, s31, s12, $0xb8;
	[tilespmem:$0x1F400] =	vst v63  }
0x5d: {  	_ =	swait.ge [sflag:s19], $0x6400  }
0x5e: {  	[sflag:s19] =	ssyncset.done $0x0  }
0x5f: {  	[sflag:s19] =	ssyncadd.s32 $0xFFFF9C00  }
0x60: {  	[hbm4b:s5+s3] =	stream.linear.scatter [tilespmem:s13], [sflag:$0x5], $0x6400, $0x38;
	[tilespmem:$0x1F400] =	vst v63  }
0x61: {  	_ =	swait.ge [sflag:s21], $0x6400  }
0x62: {  	[sflag:s21] =	ssyncset.done $0x0  }
0x63: {  	[sflag:s21] =	ssyncadd.s32 $0xFFFF9C00  }
0x64: {  	[hbm4b:s6+s3] =	stream.linear.scatter [tilespmem:s14], [sflag:$0x6], $0x6400, $0x38;
	[tilespmem:$0x1F400] =	vst v63  }
0x65: {  	_ =	swait.ge [sflag:s23], $0x6400  }
0x66: {  	[sflag:s23] =	ssyncset.done $0x0  }
0x67: {  	[sflag:s23] =	ssyncadd.s32 $0xFFFF9C00  }
0x68: {  	[hbm4b:s7+s3] =	stream.linear.scatter [tilespmem:s16], [sflag:$0x7], $0x6400, $0x38;
	[tilespmem:$0x1F400] =	vst v63  }
0x69: {  	_ =	swait.ge [sflag:s25], $0x6400  }
0x6a: {  	[sflag:s25] =	ssyncset.done $0x0  }
0x6b: {  	[sflag:s25] =	ssyncadd.s32 $0xFFFF9C00  }
0x6c: {  	[hbm4b:s8+s3] =	stream.linear.scatter [tilespmem:s18], [sflag:$0x8], $0x6400, $0x38;
	[tilespmem:$0x1F400] =	vst v63  }
0x6d: {  	_ =	swait.ge [sflag:s20], $0x6400  }
0x6e: {  	[sflag:s20] =	ssyncset.done $0x0  }
0x6f: {  	[sflag:s20] =	ssyncadd.s32 $0xFFFF9C00  }
0x70: {  	_ =	swait.ge [sflag:s22], $0x6400  }
0x71: {  	[sflag:s22] =	ssyncset.done $0x0  }
0x72: {  	s28 =	sadd.s32 $0x1, s28;
	[sflag:s22] =	ssyncadd.s32 $0xFFFF9C00  }
0x73: {  	p0 =	sne.s32 s28, s9;
	_ =	swait.ge [sflag:s24], $0x6400  }
.Ltmp1:
0x74: {  	[sflag:s24] =	ssyncset.done $0x0;
	(pc) =	sbr.rel @p0 .LBB2_1-.Ltmp1, $4  }
0x75: {  	[sflag:s24] =	ssyncadd.s32 $0xFFFF9C00  }
0x76: {  	_ =	swait.ge [sflag:s26], $0x6400  }
0x77: {  	[sflag:s26] =	ssyncset.done $0x0  }
0x78: {  	[sflag:s26] =	ssyncadd.s32 $0xFFFF9C00  }
0x79: {  	_ =	sfence.sel $0x180000  }
0x7a: {  	[bflag:$0x0] =	sbarrier.arrive $0xFFFF  }
0x7b: {  	_ =	strace $0x90000047  }
0x7c: {  	[bflag:$0x2] =	sbarrier.arrive $0xFFFF  }
0x7d: {  	p0 =	sne.s32 s0, $0x0;
	s0 =	rddreg [dreg:$0x3]  }
0x7e: {  	s0 =	sadd.s32 @!p0 $0x100000, s0  }
0x7f: {  	[sflag:s0] =	ssyncadd.tile.s32 @!p0 $0x1;
	_ =	shalt  }
.Lfunc_end2:
_tile_overlayer_lowered:
.L_overlay_start_2:
0x80: {  	(tag) =	ssettag $0x2  }
0x81: {  	s0 =	rddreg [dreg:$0x0];
	s2 =	stileid.u32  }
0x82: {  	s1 =	rddreg [dreg:$0x1];
	p0 =	sne.s32 s2, $0x0  }
0x83: {  	s3 =	rddreg [dreg:$0x2];
	[bflag:$0x3] =	sbarrier.arrive $0xFFFF;
	s2 =	simm.s32 @!p0 $0x1C09  }
0x84: {  	[timem:s3], [sflag:s2] =	dma.local @!p0 [hbm:s0], s1  }
0x85: {  	s0 =	simm.s32 @!p0 $0x9  }
0x86: {  	_ =	swait.ge @!p0 [sflag:s0], s1  }
0x87: {  	s1 =	ssub.s32 @!p0 $0x0, s1;
	[sflag:s0] =	ssyncset.done @!p0 $0x0  }
0x88: {  	[sflag:s0] =	ssyncadd.s32 @!p0 s1  }
0x89: {  	[bflag:$0x3] =	sbarrier.arrive $0xFFFF  }
0x8a: {  	_ =	shalt  }

</sc_bundles>
